<compile_context>
chip_gen: v7x
topology: tpu7x:2x2x1
jax: 0.10.2.dev20260603
libtpu: 0.0.44.dev20260713+nightly
codegen_flags: <defaults>
</compile_context>

<pallas_src>
import functools

import jax
import jax.numpy as jnp
from jax import lax
from jax.experimental import pallas as pl
from jax.experimental.pallas import tpu as pltpu
from jax.experimental.pallas import tpu_sc as plsc

_LANES = 16


def _sc_scatter_partials(senders, receivers, edge_weight, n, nblk, blk):
    e = senders.shape[0]
    info = plsc.get_sparse_core_info()
    nc, ns = info.num_cores, info.num_subcores
    nw = nc * ns
    assert e % (nw * _LANES) == 0
    ept = e // nw
    groups = ept // _LANES
    mesh = plsc.VectorSubcoreMesh(core_axis_name="c", subcore_axis_name="s")

    @functools.partial(
        pl.kernel,
        mesh=mesh,
        compiler_params=pltpu.CompilerParams(needs_layout_passes=False),
        out_type=(
            jax.ShapeDtypeStruct((nw, n), jnp.float32),
            jax.ShapeDtypeStruct((nw, n), jnp.float32),
        ),
        scratch_types=[
            pltpu.VMEM((ept,), jnp.int32),
            pltpu.VMEM((ept,), jnp.int32),
            pltpu.VMEM((ept,), jnp.float32),
            pltpu.VMEM((n,), jnp.float32),
            pltpu.VMEM((n,), jnp.float32),
            pltpu.SemaphoreType.DMA,
            pltpu.SemaphoreType.DMA,
            pltpu.SemaphoreType.DMA,
        ],
    )
    def scatter_kernel(send_hbm, recv_hbm, w_hbm, degp_hbm, sp_hbm,
                       send_v, recv_v, w_v, dacc, sacc, sem0, sem1, sem2):
        wid = lax.axis_index("s") * nc + lax.axis_index("c")
        base = wid * ept
        cp0 = pltpu.async_copy(send_hbm.at[pl.ds(base, ept)], send_v, sem0)
        cp1 = pltpu.async_copy(recv_hbm.at[pl.ds(base, ept)], recv_v, sem1)
        cp2 = pltpu.async_copy(w_hbm.at[pl.ds(base, ept)], w_v, sem2)

        zeros = jnp.zeros((_LANES,), jnp.float32)

        @plsc.parallel_loop(0, n, _LANES, unroll=8)
        def _zero(j):
            dacc[pl.ds(j, _LANES)] = zeros
            sacc[pl.ds(j, _LANES)] = zeros

        cp0.wait()
        cp1.wait()
        cp2.wait()

        @plsc.parallel_loop(0, ept, _LANES, unroll=16)
        def _scatter(j):
            sl = pl.ds(j, _LANES)
            w = w_v[sl]
            plsc.addupdate_scatter(dacc, [send_v[sl]], w)
            plsc.addupdate_scatter(sacc, [recv_v[sl]], w)

        ocp0 = pltpu.async_copy(dacc, degp_hbm.at[wid], sem0)
        ocp1 = pltpu.async_copy(sacc, sp_hbm.at[wid], sem1)
        ocp0.wait()
        ocp1.wait()

    return scatter_kernel(senders, receivers, edge_weight)


def _blk_pad(blk):
    return ((blk + 127) // 128) * 128


def _tc_body(k, blk, nblk, degp_ref, sp_ref, x_ref, ws_ref, bs_ref, bias_ref,
             out_ref, r_scr, wa_scr, wb_scr):
    pad = _blk_pad(blk)
    i = pl.program_id(0)

    @pl.when(i == 0)
    def _():
        deg = jnp.sum(degp_ref[...], axis=0)
        s = jnp.sum(sp_ref[...], axis=0)
        r_all = (deg - s) / jnp.max(deg) - 1.0
        for b in range(nblk):
            r_scr[0, b * pad:b * pad + blk] = (
                r_all[b * blk:(b + 1) * blk])
        wa = ws_ref[0]
        wb = jnp.zeros_like(wa)
        for kk in range(1, k):
            wa = wa + ws_ref[kk]
            wb = wb + float(kk) * ws_ref[kk]
        wa_scr[...] = wa
        wb_scr[...] = wb

    rm1 = r_scr[0, pl.ds(i * pad, blk)]
    xb = x_ref[...]
    bsum = jnp.sum(bs_ref[...], axis=0, keepdims=True) + bias_ref[...]
    acc = (jnp.dot(xb, wa_scr[...], preferred_element_type=jnp.float32)
           + rm1[:, None]
           * jnp.dot(xb, wb_scr[...], preferred_element_type=jnp.float32)
           + bsum)
    out_ref[...] = acc


def kernel(x, senders, receivers, edge_weight, Ws, bs, bias):
    n, d = x.shape
    k, _, out_dim = Ws.shape
    blk = 2000
    assert n % blk == 0
    nblk = n // blk

    degp, sp = _sc_scatter_partials(senders, receivers, edge_weight, n,
                                    nblk, blk)
    nw = degp.shape[0]

    return pl.pallas_call(
        functools.partial(_tc_body, k, blk, nblk),
        grid=(nblk,),
        in_specs=[
            pl.BlockSpec((nw, n), lambda i: (0, 0)),
            pl.BlockSpec((nw, n), lambda i: (0, 0)),
            pl.BlockSpec((blk, d), lambda i: (i, 0)),
            pl.BlockSpec((k, d, out_dim), lambda i: (0, 0, 0)),
            pl.BlockSpec((k, out_dim), lambda i: (0, 0)),
            pl.BlockSpec((1, out_dim), lambda i: (0, 0)),
        ],
        out_specs=pl.BlockSpec((blk, out_dim), lambda i: (i, 0)),
        out_shape=jax.ShapeDtypeStruct((n, out_dim), jnp.float32),
        scratch_shapes=[
            pltpu.VMEM((1, nblk * _blk_pad(blk)), jnp.float32),
            pltpu.VMEM((d, out_dim), jnp.float32),
            pltpu.VMEM((d, out_dim), jnp.float32),
        ],
    )(degp, sp, x, Ws, bs, bias.reshape(1, out_dim))

# --- scband reference (transcript-rebuilt; emitter-appended) ---
"""Pipeline reference for scband-cheb-conv-37452114821814 (READ-ONLY COPY).

The authoritative reference and input builder live on the scoring server;
editing this copy changes nothing except your own understanding.
"""

import jax, jax.numpy as jnp
import numpy as np

N = 10000
E = 320000
D = 128
OUT = 128
K = 6


def setup_inputs(seed: int = 0):
    key = jax.random.key(seed)
    ks = jax.random.split(key, 6)
    x = jax.random.normal(ks[0], (N, D), dtype=jnp.float32)
    senders = jax.random.randint(ks[1], (E,), 0, N, dtype=jnp.int32)
    receivers = jax.random.randint(ks[2], (E,), 0, N, dtype=jnp.int32)
    edge_weight = jax.random.uniform(ks[3], (E,), dtype=jnp.float32)
    # K Dense layers (flax nn.Dense with bias), plus final additive bias param
    Ws = jax.random.normal(ks[4], (K, D, OUT), dtype=jnp.float32) * 0.05
    bs = jnp.zeros((K, OUT), dtype=jnp.float32)
    bias = jnp.zeros((OUT,), dtype=jnp.float32)
    return {"x": x, "senders": senders, "receivers": receivers,
            "edge_weight": edge_weight, "Ws": Ws, "bs": bs, "bias": bias}


def reference(x, senders, receivers, edge_weight, Ws, bs, bias):
    n = x.shape[0]
    # --- __norm__: get_laplacian (normalization=None): L = D - A ---
    deg = jax.ops.segment_sum(edge_weight, senders, num_segments=n)
    loop_idx = jnp.arange(n, dtype=senders.dtype)
    lap_receivers = jnp.concatenate([receivers, loop_idx])
    lap_w = jnp.concatenate([-edge_weight, deg])
    lambda_max = 2.0 * lap_w.max()
    norm = 2.0 * lap_w / lambda_max
    # --- Chebyshev terms ---
    Tx_0 = x
    out = x @ Ws[0] + bs[0]
    # jraph.GraphNetwork node update: received_attributes = segment_sum(edges over receivers)
    # update_fn: received_attributes[..., None] * nodes
    recv = jax.ops.segment_sum(norm, lap_receivers, num_segments=n)
    Tx_1 = recv[:, None] * x
    out = out + Tx_1 @ Ws[1] + bs[1]
    for k in range(2, K):
        # faithful to source: loop does NOT propagate, just recurrence on node features
        Tx_2 = 2.0 * Tx_1 - Tx_0
        out = out + Tx_2 @ Ws[k] + bs[k]
        Tx_0, Tx_1 = Tx_1, Tx_2
    out = out + bias
    return out

if __name__ == "__main__":
    import jax
    _d = setup_inputs()
    print(jax.jit(kernel)(*tuple(_d.values())))

</pallas_src>

<mosaic_0001>
#map = affine_map<(d0, d1) -> (0)>
#map1 = affine_map<(d0, d1) -> (0, 0)>
module attributes {stable_mosaic.version = 14 : i64} {
  func.func @scatter_kernel(%arg0: i32, %arg1: i32, %arg2: memref<320000xi32, #tpu.memory_space<hbm>>, %arg3: memref<320000xi32, #tpu.memory_space<hbm>>, %arg4: memref<320000xf32, #tpu.memory_space<hbm>>, %arg5: memref<32x10000xf32, #tpu.memory_space<hbm>>, %arg6: memref<32x10000xf32, #tpu.memory_space<hbm>>, %arg7: memref<10000xi32, #tpu.memory_space<vmem>>, %arg8: memref<10000xi32, #tpu.memory_space<vmem>>, %arg9: memref<10000xf32, #tpu.memory_space<vmem>>, %arg10: memref<10000xf32, #tpu.memory_space<vmem>>, %arg11: memref<10000xf32, #tpu.memory_space<vmem>>, %arg12: memref<!tpu.dma_semaphore, #tpu.memory_space<semaphore_mem>>, %arg13: memref<!tpu.dma_semaphore, #tpu.memory_space<semaphore_mem>>, %arg14: memref<!tpu.dma_semaphore, #tpu.memory_space<semaphore_mem>>) attributes {dimension_semantics = [#tpu.dimension_semantics<core_parallel>, #tpu.dimension_semantics<subcore_parallel>], iteration_bounds = array<i64: 2, 16>, scalar_prefetch = 0 : i64, scratch_operands = 8 : i64, tpu.core_type = #tpu.core_type<sc_vector_subcore>, window_params = [{transform_indices = #map}, {transform_indices = #map}, {transform_indices = #map}, {transform_indices = #map1}, {transform_indices = #map1}]} {
    %mul3A = arith.constant 2 : i32
    %mul3A_0 = arith.muli %arg1, %mul3A : i32
    %add3A = arith.addi %mul3A_0, %arg0 : i32
    %mul3A_1 = arith.constant 10000 : i32
    %mul3A_2 = arith.muli %add3A, %mul3A_1 : i32
    %dma_start3A = tpu.memref_slice %arg2[%mul3A_2] : memref<320000xi32, #tpu.memory_space<hbm>> -> memref<10000xi32, #tpu.memory_space<hbm>>
    %dma_start3A_3 = tpu.memref_slice %arg2[%mul3A_2] : memref<320000xi32, #tpu.memory_space<hbm>> -> memref<10000xi32, #tpu.memory_space<hbm>>
    tpu.enqueue_dma source(%dma_start3A_3 : memref<10000xi32, #tpu.memory_space<hbm>>) target(%arg7 : memref<10000xi32, #tpu.memory_space<vmem>>) target_semaphore(%arg12 : memref<!tpu.dma_semaphore, #tpu.memory_space<semaphore_mem>>)
    %dma_start3A_4 = tpu.memref_slice %arg3[%mul3A_2] : memref<320000xi32, #tpu.memory_space<hbm>> -> memref<10000xi32, #tpu.memory_space<hbm>>
    %dma_start3A_5 = tpu.memref_slice %arg3[%mul3A_2] : memref<320000xi32, #tpu.memory_space<hbm>> -> memref<10000xi32, #tpu.memory_space<hbm>>
    tpu.enqueue_dma source(%dma_start3A_5 : memref<10000xi32, #tpu.memory_space<hbm>>) target(%arg8 : memref<10000xi32, #tpu.memory_space<vmem>>) target_semaphore(%arg13 : memref<!tpu.dma_semaphore, #tpu.memory_space<semaphore_mem>>)
    %dma_start3A_6 = tpu.memref_slice %arg4[%mul3A_2] : memref<320000xf32, #tpu.memory_space<hbm>> -> memref<10000xf32, #tpu.memory_space<hbm>>
    %dma_start3A_7 = tpu.memref_slice %arg4[%mul3A_2] : memref<320000xf32, #tpu.memory_space<hbm>> -> memref<10000xf32, #tpu.memory_space<hbm>>
    tpu.enqueue_dma source(%dma_start3A_7 : memref<10000xf32, #tpu.memory_space<hbm>>) target(%arg9 : memref<10000xf32, #tpu.memory_space<vmem>>) target_semaphore(%arg14 : memref<!tpu.dma_semaphore, #tpu.memory_space<semaphore_mem>>)
    %broadcast_in_dim3A = arith.constant 0.000000e+00 : f32
    %broadcast_in_dim3A_8 = vector.broadcast %broadcast_in_dim3A : f32 to vector<16xf32>
    %parallel_loop3A = arith.constant 0 : i32
    %parallel_loop3A_9 = arith.constant 10000 : i32
    %parallel_loop3A_10 = arith.constant 16 : i32
    scf.for %parallel_loop3A_43 = %parallel_loop3A to %parallel_loop3A_9 step %parallel_loop3A_10  : i32 {
      %parallel_loop3A_44 = arith.index_cast %parallel_loop3A_43 : i32 to index
      %parallel_loop3A_45 = tpu.vector_load %arg10[%parallel_loop3A_44] {strides = array<i32>} : memref<10000xf32, #tpu.memory_space<vmem>>, vector<16xf32>,
      tpu.vector_store %arg10[%parallel_loop3A_44], %broadcast_in_dim3A_8 {strides = array<i32>} : memref<10000xf32, #tpu.memory_space<vmem>>, vector<16xf32>,
      %parallel_loop3A_46 = arith.index_cast %parallel_loop3A_43 : i32 to index
      %parallel_loop3A_47 = tpu.vector_load %arg11[%parallel_loop3A_46] {strides = array<i32>} : memref<10000xf32, #tpu.memory_space<vmem>>, vector<16xf32>,
      tpu.vector_store %arg11[%parallel_loop3A_46], %broadcast_in_dim3A_8 {strides = array<i32>} : memref<10000xf32, #tpu.memory_space<vmem>>, vector<16xf32>,
    } {sc.loop_unroll_factor = 8 : i64, sc.parallel_access}
    %dma_wait3A = tpu.memref_slice %arg2[%mul3A_2] : memref<320000xi32, #tpu.memory_space<hbm>> -> memref<10000xi32, #tpu.memory_space<hbm>>
    %dma_wait3A_11 = tpu.memref_slice %arg2[%mul3A_2] : memref<320000xi32, #tpu.memory_space<hbm>> -> memref<10000xi32, #tpu.memory_space<hbm>>
    tpu.wait_dma2 semaphore(%arg12 : memref<!tpu.dma_semaphore, #tpu.memory_space<semaphore_mem>>) src(%dma_wait3A_11 : memref<10000xi32, #tpu.memory_space<hbm>>) dst(%arg7 : memref<10000xi32, #tpu.memory_space<vmem>>)
    %dma_wait3A_12 = tpu.memref_slice %arg3[%mul3A_2] : memref<320000xi32, #tpu.memory_space<hbm>> -> memref<10000xi32, #tpu.memory_space<hbm>>
    %dma_wait3A_13 = tpu.memref_slice %arg3[%mul3A_2] : memref<320000xi32, #tpu.memory_space<hbm>> -> memref<10000xi32, #tpu.memory_space<hbm>>
    tpu.wait_dma2 semaphore(%arg13 : memref<!tpu.dma_semaphore, #tpu.memory_space<semaphore_mem>>) src(%dma_wait3A_13 : memref<10000xi32, #tpu.memory_space<hbm>>) dst(%arg8 : memref<10000xi32, #tpu.memory_space<vmem>>)
    %dma_wait3A_14 = tpu.memref_slice %arg4[%mul3A_2] : memref<320000xf32, #tpu.memory_space<hbm>> -> memref<10000xf32, #tpu.memory_space<hbm>>
    %dma_wait3A_15 = tpu.memref_slice %arg4[%mul3A_2] : memref<320000xf32, #tpu.memory_space<hbm>> -> memref<10000xf32, #tpu.memory_space<hbm>>
    tpu.wait_dma2 semaphore(%arg14 : memref<!tpu.dma_semaphore, #tpu.memory_space<semaphore_mem>>) src(%dma_wait3A_15 : memref<10000xf32, #tpu.memory_space<hbm>>) dst(%arg9 : memref<10000xf32, #tpu.memory_space<vmem>>)
    %parallel_loop3A_16 = arith.constant 0 : i32
    %parallel_loop3A_17 = arith.constant 10000 : i32
    %parallel_loop3A_18 = arith.constant 16 : i32
    scf.for %parallel_loop3A_43 = %parallel_loop3A_16 to %parallel_loop3A_17 step %parallel_loop3A_18  : i32 {
      %parallel_loop3A_44 = arith.index_cast %parallel_loop3A_43 : i32 to index
      %parallel_loop3A_45 = tpu.vector_load %arg9[%parallel_loop3A_44] {strides = array<i32>} : memref<10000xf32, #tpu.memory_space<vmem>>, vector<16xf32>,
      %parallel_loop3A_46 = arith.index_cast %parallel_loop3A_43 : i32 to index
      %parallel_loop3A_47 = tpu.vector_load %arg7[%parallel_loop3A_46] {strides = array<i32>} : memref<10000xi32, #tpu.memory_space<vmem>>, vector<16xi32>,
      tpu.vector_store_idx %arg10[%parallel_loop3A_47], %parallel_loop3A_45 {add = true} : memref<10000xf32, #tpu.memory_space<vmem>>[vector<16xi32>], vector<16xf32>,
      %parallel_loop3A_48 = arith.index_cast %parallel_loop3A_43 : i32 to index
      %parallel_loop3A_49 = tpu.vector_load %arg8[%parallel_loop3A_48] {strides = array<i32>} : memref<10000xi32, #tpu.memory_space<vmem>>, vector<16xi32>,
      tpu.vector_store_idx %arg11[%parallel_loop3A_49], %parallel_loop3A_45 {add = true} : memref<10000xf32, #tpu.memory_space<vmem>>[vector<16xi32>], vector<16xf32>,
    } {sc.loop_unroll_factor = 16 : i64, sc.parallel_access}
    %dma_start3A_19 = arith.constant 0 : i32
    %dma_start3A_20 = tpu.memref_slice %arg5[%add3A, %dma_start3A_19] : memref<32x10000xf32, #tpu.memory_space<hbm>> -> memref<1x10000xf32, #tpu.memory_space<hbm>>
    %dma_start3A_21 = tpu.memref_squeeze %dma_start3A_20 : memref<1x10000xf32, #tpu.memory_space<hbm>> -> memref<10000xf32, #tpu.memory_space<hbm>>
    %dma_start3A_22 = arith.constant 0 : i32
    %dma_start3A_23 = tpu.memref_slice %arg5[%add3A, %dma_start3A_22] : memref<32x10000xf32, #tpu.memory_space<hbm>> -> memref<1x10000xf32, #tpu.memory_space<hbm>>
    %dma_start3A_24 = tpu.memref_squeeze %dma_start3A_23 : memref<1x10000xf32, #tpu.memory_space<hbm>> -> memref<10000xf32, #tpu.memory_space<hbm>>
    tpu.enqueue_dma source(%arg10 : memref<10000xf32, #tpu.memory_space<vmem>>) target(%dma_start3A_24 : memref<10000xf32, #tpu.memory_space<hbm>>) target_semaphore(%arg12 : memref<!tpu.dma_semaphore, #tpu.memory_space<semaphore_mem>>)
    %dma_start3A_25 = arith.constant 0 : i32
    %dma_start3A_26 = tpu.memref_slice %arg6[%add3A, %dma_start3A_25] : memref<32x10000xf32, #tpu.memory_space<hbm>> -> memref<1x10000xf32, #tpu.memory_space<hbm>>
    %dma_start3A_27 = tpu.memref_squeeze %dma_start3A_26 : memref<1x10000xf32, #tpu.memory_space<hbm>> -> memref<10000xf32, #tpu.memory_space<hbm>>
    %dma_start3A_28 = arith.constant 0 : i32
    %dma_start3A_29 = tpu.memref_slice %arg6[%add3A, %dma_start3A_28] : memref<32x10000xf32, #tpu.memory_space<hbm>> -> memref<1x10000xf32, #tpu.memory_space<hbm>>
    %dma_start3A_30 = tpu.memref_squeeze %dma_start3A_29 : memref<1x10000xf32, #tpu.memory_space<hbm>> -> memref<10000xf32, #tpu.memory_space<hbm>>
    tpu.enqueue_dma source(%arg11 : memref<10000xf32, #tpu.memory_space<vmem>>) target(%dma_start3A_30 : memref<10000xf32, #tpu.memory_space<hbm>>) target_semaphore(%arg13 : memref<!tpu.dma_semaphore, #tpu.memory_space<semaphore_mem>>)
    %dma_wait3A_31 = arith.constant 0 : i32
    %dma_wait3A_32 = tpu.memref_slice %arg5[%add3A, %dma_wait3A_31] : memref<32x10000xf32, #tpu.memory_space<hbm>> -> memref<1x10000xf32, #tpu.memory_space<hbm>>
    %dma_wait3A_33 = tpu.memref_squeeze %dma_wait3A_32 : memref<1x10000xf32, #tpu.memory_space<hbm>> -> memref<10000xf32, #tpu.memory_space<hbm>>
    %dma_wait3A_34 = arith.constant 0 : i32
    %dma_wait3A_35 = tpu.memref_slice %arg5[%add3A, %dma_wait3A_34] : memref<32x10000xf32, #tpu.memory_space<hbm>> -> memref<1x10000xf32, #tpu.memory_space<hbm>>
    %dma_wait3A_36 = tpu.memref_squeeze %dma_wait3A_35 : memref<1x10000xf32, #tpu.memory_space<hbm>> -> memref<10000xf32, #tpu.memory_space<hbm>>
    tpu.wait_dma2 semaphore(%arg12 : memref<!tpu.dma_semaphore, #tpu.memory_space<semaphore_mem>>) src(%arg10 : memref<10000xf32, #tpu.memory_space<vmem>>) dst(%dma_wait3A_36 : memref<10000xf32, #tpu.memory_space<hbm>>)
    %dma_wait3A_37 = arith.constant 0 : i32
    %dma_wait3A_38 = tpu.memref_slice %arg6[%add3A, %dma_wait3A_37] : memref<32x10000xf32, #tpu.memory_space<hbm>> -> memref<1x10000xf32, #tpu.memory_space<hbm>>
    %dma_wait3A_39 = tpu.memref_squeeze %dma_wait3A_38 : memref<1x10000xf32, #tpu.memory_space<hbm>> -> memref<10000xf32, #tpu.memory_space<hbm>>
    %dma_wait3A_40 = arith.constant 0 : i32
    %dma_wait3A_41 = tpu.memref_slice %arg6[%add3A, %dma_wait3A_40] : memref<32x10000xf32, #tpu.memory_space<hbm>> -> memref<1x10000xf32, #tpu.memory_space<hbm>>
    %dma_wait3A_42 = tpu.memref_squeeze %dma_wait3A_41 : memref<1x10000xf32, #tpu.memory_space<hbm>> -> memref<10000xf32, #tpu.memory_space<hbm>>
    tpu.wait_dma2 semaphore(%arg13 : memref<!tpu.dma_semaphore, #tpu.memory_space<semaphore_mem>>) src(%arg11 : memref<10000xf32, #tpu.memory_space<vmem>>) dst(%dma_wait3A_42 : memref<10000xf32, #tpu.memory_space<hbm>>)
    return
  }
}

module attributes {stable_mosaic.version = 14 : i64} {
  func.func @_tc_body(%arg0: i32, %arg1: memref<32x10000xf32, #tpu.memory_space<vmem>>, %arg2: memref<32x10000xf32, #tpu.memory_space<vmem>>, %arg3: memref<2000x128xf32, #tpu.memory_space<vmem>>, %arg4: memref<6x128x128xf32, #tpu.memory_space<vmem>>, %arg5: memref<6x128xf32, #tpu.memory_space<vmem>>, %arg6: memref<1x128xf32, #tpu.memory_space<vmem>>, %arg7: memref<2000x128xf32, #tpu.memory_space<vmem>>, %arg8: memref<1x10240xf32, #tpu.memory_space<vmem>>, %arg9: memref<128x128xf32, #tpu.memory_space<vmem>>, %arg10: memref<128x128xf32, #tpu.memory_space<vmem>>) attributes {dimension_semantics = [#tpu.dimension_semantics<arbitrary>], iteration_bounds = array<i64: 5>, scalar_prefetch = 0 : i64, scratch_operands = 3 : i64, tpu.core_type = #tpu.core_type<tc>, window_params = [{pipeline_mode = #tpu.pipeline_mode<synchronous>, transform_indices = @transform_0, window_bounds = array<i64: 32, 10000>}, {pipeline_mode = #tpu.pipeline_mode<synchronous>, transform_indices = @transform_1, window_bounds = array<i64: 32, 10000>}, {transform_indices = @transform_2, window_bounds = array<i64: 2000, 128>}, {pipeline_mode = #tpu.pipeline_mode<synchronous>, transform_indices = @transform_3, window_bounds = array<i64: 6, 128, 128>}, {pipeline_mode = #tpu.pipeline_mode<synchronous>, transform_indices = @transform_4, window_bounds = array<i64: 6, 128>}, {pipeline_mode = #tpu.pipeline_mode<synchronous>, transform_indices = @transform_5, window_bounds = array<i64: 1, 128>}, {transform_indices = @transform_6, window_bounds = array<i64: 2000, 128>}]} {
    %eq3A = arith.constant 0 : i32
    %eq3A_0 = arith.cmpi eq, %arg0, %eq3A : i32
    %convert_element_type3A = arith.extui %eq3A_0 : i1 to i32
    %cond3A = arith.constant 0 : i32
    %cond3A_1 = arith.cmpi ne, %convert_element_type3A, %cond3A : i32
    scf.if %cond3A_1 {
      %get3A_33 = arith.constant 0 : index
      %get3A_34 = arith.constant 0 : index
      %get3A_35 = vector.load %arg1[%get3A_33, %get3A_34] : memref<32x10000xf32, #tpu.memory_space<vmem>>, vector<32x10000xf32>
      %reduce_sum3A_36 = arith.constant dense<0.000000e+00> : vector<10000xf32>
      %reduce_sum3A_37 = vector.multi_reduction <add>, %get3A_35, %reduce_sum3A_36 [0] : vector<32x10000xf32> to vector<10000xf32>
      %get3A_38 = arith.constant 0 : index
      %get3A_39 = arith.constant 0 : index
      %get3A_40 = vector.load %arg2[%get3A_38, %get3A_39] : memref<32x10000xf32, #tpu.memory_space<vmem>>, vector<32x10000xf32>
      %reduce_sum3A_41 = arith.constant dense<0.000000e+00> : vector<10000xf32>
      %reduce_sum3A_42 = vector.multi_reduction <add>, %get3A_40, %reduce_sum3A_41 [0] : vector<32x10000xf32> to vector<10000xf32>
      %sub3A = arith.subf %reduce_sum3A_37, %reduce_sum3A_42 : vector<10000xf32>
      %reduce_max3A = vector.shape_cast %reduce_sum3A_37 : vector<10000xf32> to vector<1x10000xf32>
      %reduce_max3A_43 = arith.constant dense<0xFF800000> : vector<1xf32>
      %reduce_max3A_44 = vector.multi_reduction <maximumf>, %reduce_max3A, %reduce_max3A_43 [1] : vector<1x10000xf32> to vector<1xf32>
      %reduce_max3A_45 = vector.shape_cast %reduce_max3A_44 : vector<1xf32> to vector<1x1xf32>
      %reduce_max3A_46 = vector.extract %reduce_max3A_45[0, 0] : f32 from vector<1x1xf32>
      %div3A = vector.broadcast %reduce_max3A_46 : f32 to vector<10000xf32>
      %div3A_47 = arith.divf %sub3A, %div3A : vector<10000xf32>
      %sub3A_48 = arith.constant 1.000000e+00 : f32
      %sub3A_49 = vector.broadcast %sub3A_48 : f32 to vector<10000xf32>
      %sub3A_50 = arith.subf %div3A_47, %sub3A_49 : vector<10000xf32>
      %slice3A = vector.extract_strided_slice %sub3A_50 {offsets = [0], sizes = [2000], strides = [1]} : vector<10000xf32> to vector<2000xf32>
      %swap3A_51 = arith.constant 0 : index
      %swap3A_52 = arith.constant 0 : index
      %swap3A_53 = vector.load %arg8[%swap3A_51, %swap3A_52] : memref<1x10240xf32, #tpu.memory_space<vmem>>, vector<1x2000xf32>
      %swap3A_54 = vector.shape_cast %swap3A_53 : vector<1x2000xf32> to vector<2000xf32>
      %swap3A_55 = vector.shape_cast %slice3A : vector<2000xf32> to vector<1x2000xf32>
      tpu.vector_store %arg8[%swap3A_51, %swap3A_52], %swap3A_55 {strides = array<i32>} : memref<1x10240xf32, #tpu.memory_space<vmem>>, vector<1x2000xf32>,
      %slice3A_56 = vector.extract_strided_slice %sub3A_50 {offsets = [2000], sizes = [2000], strides = [1]} : vector<10000xf32> to vector<2000xf32>
      %swap3A_57 = arith.constant 0 : index
      %swap3A_58 = arith.constant 2048 : index
      %swap3A_59 = vector.load %arg8[%swap3A_57, %swap3A_58] : memref<1x10240xf32, #tpu.memory_space<vmem>>, vector<1x2000xf32>
      %swap3A_60 = vector.shape_cast %swap3A_59 : vector<1x2000xf32> to vector<2000xf32>
      %swap3A_61 = vector.shape_cast %slice3A_56 : vector<2000xf32> to vector<1x2000xf32>
      tpu.vector_store %arg8[%swap3A_57, %swap3A_58], %swap3A_61 {strides = array<i32>} : memref<1x10240xf32, #tpu.memory_space<vmem>>, vector<1x2000xf32>,
      %slice3A_62 = vector.extract_strided_slice %sub3A_50 {offsets = [4000], sizes = [2000], strides = [1]} : vector<10000xf32> to vector<2000xf32>
      %swap3A_63 = arith.constant 0 : index
      %swap3A_64 = arith.constant 4096 : index
      %swap3A_65 = vector.load %arg8[%swap3A_63, %swap3A_64] : memref<1x10240xf32, #tpu.memory_space<vmem>>, vector<1x2000xf32>
      %swap3A_66 = vector.shape_cast %swap3A_65 : vector<1x2000xf32> to vector<2000xf32>
      %swap3A_67 = vector.shape_cast %slice3A_62 : vector<2000xf32> to vector<1x2000xf32>
      tpu.vector_store %arg8[%swap3A_63, %swap3A_64], %swap3A_67 {strides = array<i32>} : memref<1x10240xf32, #tpu.memory_space<vmem>>, vector<1x2000xf32>,
      %slice3A_68 = vector.extract_strided_slice %sub3A_50 {offsets = [6000], sizes = [2000], strides = [1]} : vector<10000xf32> to vector<2000xf32>
      %swap3A_69 = arith.constant 0 : index
      %swap3A_70 = arith.constant 6144 : index
      %swap3A_71 = vector.load %arg8[%swap3A_69, %swap3A_70] : memref<1x10240xf32, #tpu.memory_space<vmem>>, vector<1x2000xf32>
      %swap3A_72 = vector.shape_cast %swap3A_71 : vector<1x2000xf32> to vector<2000xf32>
      %swap3A_73 = vector.shape_cast %slice3A_68 : vector<2000xf32> to vector<1x2000xf32>
      tpu.vector_store %arg8[%swap3A_69, %swap3A_70], %swap3A_73 {strides = array<i32>} : memref<1x10240xf32, #tpu.memory_space<vmem>>, vector<1x2000xf32>,
      %slice3A_74 = vector.extract_strided_slice %sub3A_50 {offsets = [8000], sizes = [2000], strides = [1]} : vector<10000xf32> to vector<2000xf32>
      %swap3A_75 = arith.constant 0 : index
      %swap3A_76 = arith.constant 8192 : index
      %swap3A_77 = vector.load %arg8[%swap3A_75, %swap3A_76] : memref<1x10240xf32, #tpu.memory_space<vmem>>, vector<1x2000xf32>
      %swap3A_78 = vector.shape_cast %swap3A_77 : vector<1x2000xf32> to vector<2000xf32>
      %swap3A_79 = vector.shape_cast %slice3A_74 : vector<2000xf32> to vector<1x2000xf32>
      tpu.vector_store %arg8[%swap3A_75, %swap3A_76], %swap3A_79 {strides = array<i32>} : memref<1x10240xf32, #tpu.memory_space<vmem>>, vector<1x2000xf32>,
      %get3A_80 = arith.constant 0 : index
      %get3A_81 = arith.constant 0 : index
      %get3A_82 = arith.constant 0 : index
      %get3A_83 = vector.load %arg4[%get3A_80, %get3A_81, %get3A_82] : memref<6x128x128xf32, #tpu.memory_space<vmem>>, vector<1x128x128xf32>
      %get3A_84 = vector.shape_cast %get3A_83 : vector<1x128x128xf32> to vector<128x128xf32>
      %broadcast_in_dim3A_85 = arith.constant 0.000000e+00 : f32
      %broadcast_in_dim3A_86 = vector.broadcast %broadcast_in_dim3A_85 : f32 to vector<128x128xf32>
      %get3A_87 = arith.constant 1 : index
      %get3A_88 = arith.constant 0 : index
      %get3A_89 = arith.constant 0 : index
      %get3A_90 = vector.load %arg4[%get3A_87, %get3A_88, %get3A_89] : memref<6x128x128xf32, #tpu.memory_space<vmem>>, vector<1x128x128xf32>
      %get3A_91 = vector.shape_cast %get3A_90 : vector<1x128x128xf32> to vector<128x128xf32>
      %add3A_92 = arith.addf %get3A_84, %get3A_91 : vector<128x128xf32>
      %get3A_93 = arith.constant 1 : index
      %get3A_94 = arith.constant 0 : index
      %get3A_95 = arith.constant 0 : index
      %get3A_96 = vector.load %arg4[%get3A_93, %get3A_94, %get3A_95] : memref<6x128x128xf32, #tpu.memory_space<vmem>>, vector<1x128x128xf32>
      %get3A_97 = vector.shape_cast %get3A_96 : vector<1x128x128xf32> to vector<128x128xf32>
      %mul3A_98 = arith.constant 1.000000e+00 : f32
      %mul3A_99 = vector.broadcast %mul3A_98 : f32 to vector<128x128xf32>
      %mul3A_100 = arith.mulf %mul3A_99, %get3A_97 : vector<128x128xf32>
      %add3A_101 = arith.addf %broadcast_in_dim3A_86, %mul3A_100 : vector<128x128xf32>
      %get3A_102 = arith.constant 2 : index
      %get3A_103 = arith.constant 0 : index
      %get3A_104 = arith.constant 0 : index
      %get3A_105 = vector.load %arg4[%get3A_102, %get3A_103, %get3A_104] : memref<6x128x128xf32, #tpu.memory_space<vmem>>, vector<1x128x128xf32>
      %get3A_106 = vector.shape_cast %get3A_105 : vector<1x128x128xf32> to vector<128x128xf32>
      %add3A_107 = arith.addf %add3A_92, %get3A_106 : vector<128x128xf32>
      %get3A_108 = arith.constant 2 : index
      %get3A_109 = arith.constant 0 : index
      %get3A_110 = arith.constant 0 : index
      %get3A_111 = vector.load %arg4[%get3A_108, %get3A_109, %get3A_110] : memref<6x128x128xf32, #tpu.memory_space<vmem>>, vector<1x128x128xf32>
      %get3A_112 = vector.shape_cast %get3A_111 : vector<1x128x128xf32> to vector<128x128xf32>
      %mul3A_113 = arith.constant 2.000000e+00 : f32
      %mul3A_114 = vector.broadcast %mul3A_113 : f32 to vector<128x128xf32>
      %mul3A_115 = arith.mulf %mul3A_114, %get3A_112 : vector<128x128xf32>
      %add3A_116 = arith.addf %add3A_101, %mul3A_115 : vector<128x128xf32>
      %get3A_117 = arith.constant 3 : index
      %get3A_118 = arith.constant 0 : index
      %get3A_119 = arith.constant 0 : index
      %get3A_120 = vector.load %arg4[%get3A_117, %get3A_118, %get3A_119] : memref<6x128x128xf32, #tpu.memory_space<vmem>>, vector<1x128x128xf32>
      %get3A_121 = vector.shape_cast %get3A_120 : vector<1x128x128xf32> to vector<128x128xf32>
      %add3A_122 = arith.addf %add3A_107, %get3A_121 : vector<128x128xf32>
      %get3A_123 = arith.constant 3 : index
      %get3A_124 = arith.constant 0 : index
      %get3A_125 = arith.constant 0 : index
      %get3A_126 = vector.load %arg4[%get3A_123, %get3A_124, %get3A_125] : memref<6x128x128xf32, #tpu.memory_space<vmem>>, vector<1x128x128xf32>
      %get3A_127 = vector.shape_cast %get3A_126 : vector<1x128x128xf32> to vector<128x128xf32>
      %mul3A_128 = arith.constant 3.000000e+00 : f32
      %mul3A_129 = vector.broadcast %mul3A_128 : f32 to vector<128x128xf32>
      %mul3A_130 = arith.mulf %mul3A_129, %get3A_127 : vector<128x128xf32>
      %add3A_131 = arith.addf %add3A_116, %mul3A_130 : vector<128x128xf32>
      %get3A_132 = arith.constant 4 : index
      %get3A_133 = arith.constant 0 : index
      %get3A_134 = arith.constant 0 : index
      %get3A_135 = vector.load %arg4[%get3A_132, %get3A_133, %get3A_134] : memref<6x128x128xf32, #tpu.memory_space<vmem>>, vector<1x128x128xf32>
      %get3A_136 = vector.shape_cast %get3A_135 : vector<1x128x128xf32> to vector<128x128xf32>
      %add3A_137 = arith.addf %add3A_122, %get3A_136 : vector<128x128xf32>
      %get3A_138 = arith.constant 4 : index
      %get3A_139 = arith.constant 0 : index
      %get3A_140 = arith.constant 0 : index
      %get3A_141 = vector.load %arg4[%get3A_138, %get3A_139, %get3A_140] : memref<6x128x128xf32, #tpu.memory_space<vmem>>, vector<1x128x128xf32>
      %get3A_142 = vector.shape_cast %get3A_141 : vector<1x128x128xf32> to vector<128x128xf32>
      %mul3A_143 = arith.constant 4.000000e+00 : f32
      %mul3A_144 = vector.broadcast %mul3A_143 : f32 to vector<128x128xf32>
      %mul3A_145 = arith.mulf %mul3A_144, %get3A_142 : vector<128x128xf32>
      %add3A_146 = arith.addf %add3A_131, %mul3A_145 : vector<128x128xf32>
      %get3A_147 = arith.constant 5 : index
      %get3A_148 = arith.constant 0 : index
      %get3A_149 = arith.constant 0 : index
      %get3A_150 = vector.load %arg4[%get3A_147, %get3A_148, %get3A_149] : memref<6x128x128xf32, #tpu.memory_space<vmem>>, vector<1x128x128xf32>
      %get3A_151 = vector.shape_cast %get3A_150 : vector<1x128x128xf32> to vector<128x128xf32>
      %add3A_152 = arith.addf %add3A_137, %get3A_151 : vector<128x128xf32>
      %get3A_153 = arith.constant 5 : index
      %get3A_154 = arith.constant 0 : index
      %get3A_155 = arith.constant 0 : index
      %get3A_156 = vector.load %arg4[%get3A_153, %get3A_154, %get3A_155] : memref<6x128x128xf32, #tpu.memory_space<vmem>>, vector<1x128x128xf32>
      %get3A_157 = vector.shape_cast %get3A_156 : vector<1x128x128xf32> to vector<128x128xf32>
      %mul3A_158 = arith.constant 5.000000e+00 : f32
      %mul3A_159 = vector.broadcast %mul3A_158 : f32 to vector<128x128xf32>
      %mul3A_160 = arith.mulf %mul3A_159, %get3A_157 : vector<128x128xf32>
      %add3A_161 = arith.addf %add3A_146, %mul3A_160 : vector<128x128xf32>
      %swap3A_162 = arith.constant 0 : index
      %swap3A_163 = arith.constant 0 : index
      %swap3A_164 = vector.load %arg9[%swap3A_162, %swap3A_163] : memref<128x128xf32, #tpu.memory_space<vmem>>, vector<128x128xf32>
      tpu.vector_store %arg9[%swap3A_162, %swap3A_163], %add3A_152 {strides = array<i32>} : memref<128x128xf32, #tpu.memory_space<vmem>>, vector<128x128xf32>,
      %swap3A_165 = arith.constant 0 : index
      %swap3A_166 = arith.constant 0 : index
      %swap3A_167 = vector.load %arg10[%swap3A_165, %swap3A_166] : memref<128x128xf32, #tpu.memory_space<vmem>>, vector<128x128xf32>
      tpu.vector_store %arg10[%swap3A_165, %swap3A_166], %add3A_161 {strides = array<i32>} : memref<128x128xf32, #tpu.memory_space<vmem>>, vector<128x128xf32>,
    } else {
    }
    %mul3A = arith.constant 2048 : i32
    %mul3A_2 = arith.muli %arg0, %mul3A : i32
    %get3A = arith.constant 0 : index
    %get3A_3 = arith.index_cast %mul3A_2 : i32 to index
    %get3A_4 = vector.load %arg8[%get3A, %get3A_3] : memref<1x10240xf32, #tpu.memory_space<vmem>>, vector<1x2000xf32>
    %get3A_5 = vector.shape_cast %get3A_4 : vector<1x2000xf32> to vector<2000xf32>
    %get3A_6 = arith.constant 0 : index
    %get3A_7 = arith.constant 0 : index
    %get3A_8 = vector.load %arg3[%get3A_6, %get3A_7] : memref<2000x128xf32, #tpu.memory_space<vmem>>, vector<2000x128xf32>
    %get3A_9 = arith.constant 0 : index
    %get3A_10 = arith.constant 0 : index
    %get3A_11 = vector.load %arg5[%get3A_9, %get3A_10] : memref<6x128xf32, #tpu.memory_space<vmem>>, vector<6x128xf32>
    %reduce_sum3A = arith.constant dense<0.000000e+00> : vector<128xf32>
    %reduce_sum3A_12 = vector.multi_reduction <add>, %get3A_11, %reduce_sum3A [0] : vector<6x128xf32> to vector<128xf32>
    %broadcast_in_dim3A = vector.shape_cast %reduce_sum3A_12 : vector<128xf32> to vector<1x128xf32>
    %get3A_13 = arith.constant 0 : index
    %get3A_14 = arith.constant 0 : index
    %get3A_15 = vector.load %arg6[%get3A_13, %get3A_14] : memref<1x128xf32, #tpu.memory_space<vmem>>, vector<1x128xf32>
    %add3A = arith.addf %broadcast_in_dim3A, %get3A_15 : vector<1x128xf32>
    %get3A_16 = arith.constant 0 : index
    %get3A_17 = arith.constant 0 : index
    %get3A_18 = vector.load %arg9[%get3A_16, %get3A_17] : memref<128x128xf32, #tpu.memory_space<vmem>>, vector<128x128xf32>
    %dot_general3A = arith.constant dense<0.000000e+00> : vector<2000x128xf32>
    %dot_general3A_19 = tpu.matmul %get3A_8, %get3A_18, %dot_general3A {dimension_numbers = #tpu.dot_dimension_numbers<[1], [0], [0], [1], [0, 0, 1, 1], [], []>, transpose_lhs_hint = false} : vector<2000x128xf32>, vector<128x128xf32>, vector<2000x128xf32> -> vector<2000x128xf32>
    %broadcast_in_dim3A_20 = vector.shape_cast %get3A_5 : vector<2000xf32> to vector<2000x1xf32>
    %get3A_21 = arith.constant 0 : index
    %get3A_22 = arith.constant 0 : index
    %get3A_23 = vector.load %arg10[%get3A_21, %get3A_22] : memref<128x128xf32, #tpu.memory_space<vmem>>, vector<128x128xf32>
    %dot_general3A_24 = arith.constant dense<0.000000e+00> : vector<2000x128xf32>
    %dot_general3A_25 = tpu.matmul %get3A_8, %get3A_23, %dot_general3A_24 {dimension_numbers = #tpu.dot_dimension_numbers<[1], [0], [0], [1], [0, 0, 1, 1], [], []>, transpose_lhs_hint = false} : vector<2000x128xf32>, vector<128x128xf32>, vector<2000x128xf32> -> vector<2000x128xf32>
    %mul3A_26 = vector.broadcast %broadcast_in_dim3A_20 : vector<2000x1xf32> to vector<2000x128xf32>
    %mul3A_27 = arith.mulf %mul3A_26, %dot_general3A_25 : vector<2000x128xf32>
    %add3A_28 = arith.addf %dot_general3A_19, %mul3A_27 : vector<2000x128xf32>
    %add3A_29 = vector.broadcast %add3A : vector<1x128xf32> to vector<2000x128xf32>
    %add3A_30 = arith.addf %add3A_28, %add3A_29 : vector<2000x128xf32>
    %swap3A = arith.constant 0 : index
    %swap3A_31 = arith.constant 0 : index
    %swap3A_32 = vector.load %arg7[%swap3A, %swap3A_31] : memref<2000x128xf32, #tpu.memory_space<vmem>>, vector<2000x128xf32>
    tpu.vector_store %arg7[%swap3A, %swap3A_31], %add3A_30 {strides = array<i32>} : memref<2000x128xf32, #tpu.memory_space<vmem>>, vector<2000x128xf32>,
    return
  }
  func.func @transform_0(%arg0: i32) -> (i32, i32) {
    %c0_i32 = arith.constant 0 : i32
    %c0_i32_0 = arith.constant 0 : i32
    %c0_i32_1 = arith.constant 0 : i32
    return %c0_i32, %c0_i32_0 : i32, i32
  }
  func.func @transform_1(%arg0: i32) -> (i32, i32) {
    %c0_i32 = arith.constant 0 : i32
    %c0_i32_0 = arith.constant 0 : i32
    %c0_i32_1 = arith.constant 0 : i32
    return %c0_i32, %c0_i32_0 : i32, i32
  }
  func.func @transform_2(%arg0: i32) -> (i32, i32) {
    %c0_i32 = arith.constant 0 : i32
    %c0_i32_0 = arith.constant 0 : i32
    return %arg0, %c0_i32 : i32, i32
  }
  func.func @transform_3(%arg0: i32) -> (i32, i32, i32) {
    %c0_i32 = arith.constant 0 : i32
    %c0_i32_0 = arith.constant 0 : i32
    %c0_i32_1 = arith.constant 0 : i32
    %c0_i32_2 = arith.constant 0 : i32
    return %c0_i32, %c0_i32_0, %c0_i32_1 : i32, i32, i32
  }
  func.func @transform_4(%arg0: i32) -> (i32, i32) {
    %c0_i32 = arith.constant 0 : i32
    %c0_i32_0 = arith.constant 0 : i32
    %c0_i32_1 = arith.constant 0 : i32
    return %c0_i32, %c0_i32_0 : i32, i32
  }
  func.func @transform_5(%arg0: i32) -> (i32, i32) {
    %c0_i32 = arith.constant 0 : i32
    %c0_i32_0 = arith.constant 0 : i32
    %c0_i32_1 = arith.constant 0 : i32
    return %c0_i32, %c0_i32_0 : i32, i32
  }
  func.func @transform_6(%arg0: i32) -> (i32, i32) {
    %c0_i32 = arith.constant 0 : i32
    %c0_i32_0 = arith.constant 0 : i32
    return %arg0, %c0_i32 : i32, i32
  }
}

</mosaic_0001>

<sc_bundles>
// kernel: kernel.4.cloned.1.call-start
scs
__scs_entry_jumppad:
0x0: {  	(pc) =	sbr.rel $0x88, $3  }
0x1: {  	(tag) =	ssettag $0x0;
	lr =	simm.s32 $0x1  }
0x2: {  	[smem:$0x3F9A] =	sst lr;
	_ =	strace $0xD0000000  }
0x3: {  	_ = 	snop  }
0x4: {  	_ = 	snop  }
0x5: {  	_ = 	snop  }
0x6: {  	_ = 	snop  }
0x7: {  	_ = 	snop  }
__scs_overlays_trampoline_lowered:
0x8: {  	[smem:$0x3FA9] =	sst s0  }
0x9: {  	[smem:$0x3FAA] =	sst s1  }
0xa: {  	[smem:$0x3FAB] =	sst s2  }
0xb: {  	[smem:$0x3FAC] =	sst s3  }
0xc: {  	[smem:$0x3FAD] =	sst s4  }
0xd: {  	[smem:$0x3FAE] =	sst s5  }
0xe: {  	[smem:$0x3FAF] =	sst s6  }
0xf: {  	[smem:$0x3FB0] =	sst s7  }
0x10: {  	[smem:$0x3FB1] =	sst s8  }
0x11: {  	[smem:$0x3FB2] =	sst s9;
	s0 =	simm.s32 @!p0 $0x0  }
0x12: {  	s1 =	sld [smem:$0x3F98];
	s0 =	simm.s32 @p0 $0x1  }
0x13: {  	[smem:$0x3FB3] =	sst s0;
	s0 =	simm.s32 @!p1 $0x0  }
0x14: {  	s2 =	sld [smem:$0x3F97];
	s0 =	simm.s32 @p1 $0x1  }
0x15: {  	[smem:$0x3FB4] =	sst s0;
	s0 =	simm.s32 @!p2 $0x0  }
0x16: {  	s3 =	sld [smem:$0x3FDB];
	s0 =	simm.s32 @p2 $0x1  }
0x17: {  	s4 =	simm.s32 $0x1BF5;
	[smem:$0x3FB6] =	sst s0  }
0x18: {  	s0 =	sld [smem:$0x3F99];
	_ =	swait.ge [sflag:s4], $0x0  }
0x19: {  	s7 =	sld [smem:$0x3F9A]  }
0x1a: {  	s8 =	sadd.s32 $0xFFFFE003, lr  }
0x1b: {  	s9 =	sadd.s32 $0xFFFFFEF7, lr;
	s5 =	simm.s32 $0xFFFFFFFF;
	p2 =	slt.u32 s8, $0xFFFFF086  }
0x1c: {  	p1 =	slt.u32 s9, $0xF7A;
	s5 =	simm.s32 @!p2 $0x0  }
0x1d: {  	s5 =	simm.s32 @p1 $0x1;
	p0 =	seq.s32 s7, s2  }
0x1e: {  	s7 =	smul.u32 @!p0 $0xF7A, s2;
	p2 =	seq.s32 @!p0 s5, $0x0  }
0x1f: {  	s9 =	smul.u32 $0xF7A, s1;
	s8 =	simm.s32 @!p0 $0x1BF5;
	p2 =	por !p2, p0  }
0x20: {  	[sflag:s8] =	ssyncset.s32 @!p0 $0xFFFFF086;
	s6 =	sadd.s32 @!p0 s3, s7;
	s7 =	simm.s32 @!p0 $0x108  }
0x21: {  	s3 =	sadd.s32 s3, s9;
	s6 =	sadd.s32 @!p0 $0x88, s6;
	s7 =	simm.s32 @p2 $0x1082  }
0x22: {  	[simem:s7], [sflag:s8] =	dma.local @!p0 [hbm:s6], $0xF7A  }
0x23: {  	s9 =	sor.u32 $0xD0000000, s2;
	s6 =	simm.s32 $0x108;
	_ =	swait.ge @!p0 [sflag:s8], $0x0  }
0x24: {  	s3 =	sadd.s32 $0x88, s3;
	s6 =	simm.s32 @!p1 $0x1082;
	[sflag:s4] =	ssyncset.s32 $0xFFFFF086  }
0x25: {  	[simem:s6], [sflag:s4] =	dma.local [hbm:s3], $0xF7A  }
0x26: {  	[smem:$0x3F9A] =	sst s1;
	(tag) =	ssettag s2;
	_ =	strace s9  }
0x27: {  	s1 =	sld [smem:$0x3FAA]  }
0x28: {  	s2 =	sld [smem:$0x3FAB]  }
0x29: {  	s4 =	sld [smem:$0x3FAD]  }
0x2a: {  	p0 =	seq.s32 s5, $0x0;
	s5 =	sld [smem:$0x3FAE]  }
0x2b: {  	s6 =	sld [smem:$0x3FAF]  }
0x2c: {  	s7 =	sld [smem:$0x3FB0]  }
0x2d: {  	s3 =	simm.s32 $0x108;
	s8 =	sld [smem:$0x3FB1]  }
0x2e: {  	s3 =	simm.s32 @!p0 $0x1082;
	s9 =	sld [smem:$0x3FB2]  }
0x2f: {  	lr =	sadd.s32 s0, s3;
	s0 =	sld [smem:$0x3FA9]  }
0x30: {  	s3 =	sld [smem:$0x3FAC]  }
0x31: {  	[smem:$0x3FB5] =	sst s10  }
0x32: {  	s10 =	sld [smem:$0x3FB3];
	_ =	sdelay $0x3  }
0x33: {  	p0 =	seq.s32 s10, $0x1;
	s10 =	sld [smem:$0x3FB5];
	_ =	sdelay $0x3  }
0x34: {  	[smem:$0x3FB5] =	sst s10  }
0x35: {  	s10 =	sld [smem:$0x3FB4];
	_ =	sdelay $0x3  }
0x36: {  	p1 =	seq.s32 s10, $0x1;
	s10 =	sld [smem:$0x3FB5];
	_ =	sdelay $0x3  }
0x37: {  	[smem:$0x3FB5] =	sst s10  }
0x38: {  	s10 =	sld [smem:$0x3FB6]  }
0x39: {  	_ = 	snop;
	(pc) =	sbr.ind lr, $3  }
0x3a: {  	_ = 	snop  }
0x3b: {  	_ = 	snop  }
0x3c: {  	p2 =	seq.s32 s10, $0x1;
	s10 =	sld [smem:$0x3FB5]  }
0x3d: {  	_ =	shalt  }
0x3e: {  	_ =	shalt  }
0x3f: {  	_ =	shalt  }
0x40: {  	_ =	shalt  }
0x41: {  	_ =	shalt  }
0x42: {  	_ =	shalt  }
0x43: {  	_ =	shalt  }
0x44: {  	_ =	shalt  }
0x45: {  	_ =	shalt  }
0x46: {  	_ =	shalt  }
0x47: {  	_ =	shalt  }
0x48: {  	_ =	shalt  }
0x49: {  	_ =	shalt  }
0x4a: {  	_ =	shalt  }
0x4b: {  	_ =	shalt  }
0x4c: {  	_ =	shalt  }
0x4d: {  	_ =	shalt  }
0x4e: {  	_ =	shalt  }
0x4f: {  	_ =	shalt  }
0x50: {  	_ =	shalt  }
0x51: {  	_ =	shalt  }
0x52: {  	_ =	shalt  }
0x53: {  	_ =	shalt  }
0x54: {  	_ =	shalt  }
0x55: {  	_ =	shalt  }
0x56: {  	_ =	shalt  }
0x57: {  	_ =	shalt  }
0x58: {  	_ =	shalt  }
0x59: {  	_ =	shalt  }
0x5a: {  	_ =	shalt  }
0x5b: {  	_ =	shalt  }
0x5c: {  	_ =	shalt  }
0x5d: {  	_ =	shalt  }
0x5e: {  	_ =	shalt  }
0x5f: {  	_ =	shalt  }
0x60: {  	_ =	shalt  }
0x61: {  	_ =	shalt  }
0x62: {  	_ =	shalt  }
0x63: {  	_ =	shalt  }
0x64: {  	_ =	shalt  }
0x65: {  	_ =	shalt  }
0x66: {  	_ =	shalt  }
0x67: {  	_ =	shalt  }
0x68: {  	_ =	shalt  }
0x69: {  	_ =	shalt  }
0x6a: {  	_ =	shalt  }
0x6b: {  	_ =	shalt  }
0x6c: {  	_ =	shalt  }
0x6d: {  	_ =	shalt  }
0x6e: {  	_ =	shalt  }
0x6f: {  	_ =	shalt  }
0x70: {  	_ =	shalt  }
0x71: {  	_ =	shalt  }
0x72: {  	_ =	shalt  }
0x73: {  	_ =	shalt  }
0x74: {  	_ =	shalt  }
0x75: {  	_ =	shalt  }
0x76: {  	_ =	shalt  }
0x77: {  	_ =	shalt  }
0x78: {  	_ =	shalt  }
0x79: {  	_ =	shalt  }
0x7a: {  	_ =	shalt  }
0x7b: {  	_ =	shalt  }
0x7c: {  	_ =	shalt  }
0x7d: {  	_ =	shalt  }
0x7e: {  	_ =	shalt  }
0x7f: {  	_ =	shalt  }
0x80: {  	_ =	shalt  }
0x81: {  	_ =	shalt  }
0x82: {  	_ =	shalt  }
0x83: {  	_ =	shalt  }
0x84: {  	_ =	shalt  }
0x85: {  	_ =	shalt  }
0x86: {  	_ =	shalt  }
0x87: {  	_ =	shalt  }
.Lfunc_end0:
.L_simem_size_0:
called_computation_lowered:
.L_overlay_start_0:
0x88: {  	s2 =	sld [smem:$0x3FD9]  }
0x89: {  	s3 =	sld [smem:$0x3FFE];
	_ =	sdelay $0x1  }
0x8a: {  	s1 =	srdreg.scid  }
0x8b: {  	s0 =	sand.u32 $0x1, s1  }
0x8c: {  	s17 =	sshll.u32 s0, $0xA;
	s2 =	sadd.s32 s3, s2  }
0x8d: {  	s2 =	sadd.s32 s2, s17  }
0x8e: {  	[smem:$0x3FC1] =	sst s2  }
0x8f: {  	_ = 	snop  }
0x90: {  	s2 =	sld [smem:$0x3FC8]  }
0x91: {  	s18 =	sld [smem:$0x3FC7]  }
0x92: {  	s4 =	sld [smem:$0x3FC6]  }
0x93: {  	s5 =	sld [smem:$0x3FD0];
	(tm) =	ssettm $0x1  }
0x94: {  	s6 =	sld [smem:$0x3FFB];
	_ =	sdelay $0x3  }
0x95: {  	_ =	strace s6  }
0x96: {  	s6 =	sld [smem:$0x3FFC];
	_ =	sdelay $0x3  }
0x97: {  	_ =	strace s6  }
0x98: {  	s6 =	sld [smem:$0x3FFD];
	_ =	sdelay $0x3  }
0x99: {  	_ =	strace s6  }
0x9a: {  	_ =	strace $0x8FFFFFFF  }
0x9b: {  	s19 =	sld [smem:$0x3FDB];
	_ =	sdelay $0x1  }
0x9c: {  	s7 =	simm.s32 $_scs_section_size  }
0x9d: {  	s8 =	simm.s32 $_size__tile_overlayer_lowered;
	s9 =	simm.s32 $_tile_overlayer_lowered  }
0x9e: {  	s22 =	simm.s32 $0x1BFF;
	s21 =	sshll.u32 s9, $0x1;
	s6 =	sadd.s32 s7, s19  }
0x9f: {  	s10 =	simm.s32 $0x0;
	s20 =	sshll.u32 s8, $0x1;
	s8 =	sadd.s32 s21, s6  }
0xa0: {  	[timem:s10], [sflag:s22] =	dma.local [hbm:s8], s20  }
0xa1: {  	_ =	swait.ge [sflag:s22], s20  }
0xa2: {  	s7 =	ssub.s32 $0x0, s20;
	[sflag:s22] =	ssyncset.done $0x0  }
0xa3: {  	[sflag:s22] =	ssyncadd.s32 s7;
	_ =	sdelay $0x1  }
0xa4: {  	s23 =	simm.s32 $0x1B8B  }
0xa5: {  	_ =	swait.ge [sflag:s23], $0x1  }
0xa6: {  	[sflag:s23] =	ssyncset.done $0x0  }
0xa7: {  	s25 =	simm.s32 $0x1B8E;
	s24 =	sld [smem:$0x3FFE];
	[sflag:s23] =	ssyncadd.s32 $0xFFFFFFFF  }
0xa8: {  	s26 =	simm.s32 $execute0_lowered;
	[smem:$0x3FD2] =	sst s25  }
0xa9: {  	s8 =	sshll.u32 s26, $0x1;
	_ =	strace $0x80000046;
	[dreg:$0x1] =	wrdreg $0xFFFFFFFF  }
0xaa: {  	s28 =	simm.s32 $_size_execute0_lowered;
	s6 =	sadd.s32 s6, s8;
	[dreg:$0x0] =	wrdreg $0x0  }
0xab: {  	s8 =	sshll.u32 s28, $0x1;
	[dreg:$0x2] =	wrdreg s6  }
0xac: {  	[dreg:$0x3] =	wrdreg s8  }
0xad: {  	[dreg:$0x4] =	wrdreg $0xC0  }
0xae: {  	_ =	task [dreg:s10], $0x5FFFF  }
0xaf: {  	[dreg:$0x1] =	wrdreg $0xFFFFFFFF  }
0xb0: {  	[dreg:$0x0] =	wrdreg $0x60  }
0xb1: {  	[dreg:$0x2] =	wrdreg s2  }
0xb2: {  	[dreg:$0x3] =	wrdreg s18  }
0xb3: {  	[dreg:$0x4] =	wrdreg s4  }
0xb4: {  	[dreg:$0x5] =	wrdreg s5  }
0xb5: {  	[dreg:$0x6] =	wrdreg s24  }
0xb6: {  	[dreg:$0x7] =	wrdreg $0x9  }
0xb7: {  	_ =	task.clear_ibuf [dreg:s10], $0x8FFFF;
	_ =	strace $0x90000046  }
0xb8: {  	s29 =	simm.s32 $0x9;
	_ =	strace $0x80000048  }
0xb9: {  	_ =	swait.ge [sflag:s29], $0x1  }
0xba: {  	[sflag:s29] =	ssyncadd.s32 $0xFFFFFFFF  }
0xbb: {  	_ =	strace $0x90000048  }
0xbc: {  	_ =	sfence  }
0xbd: {  	s30 =	sld [smem:$0x0];
	_ =	sdelay $0x2  }
0xbe: {  	s31 =	sshll.u32 s1, $0xD;
	s1 =	sshrl.u32 s1, $0x2  }
0xbf: {  	s3 =	sand.u32 $0x4000, s31;
	s1 =	sadd.s32 s1, s30  }
0xc0: {  	s0 =	sor.u32 s3, s0;
	s1 =	sshll.u32 s1, $0x11  }
0xc1: {  	s0 =	sor.u32 s1, s0  }
0xc2: {  	s0 =	sadd.s32 $0x8F2B, s0  }
0xc3: {  	[sflag:s0] =	ssyncadd.remote.s32 $0x1  }
0xc4: {  	_ =	sfence.sel $0xFFFF  }
0xc5: {  	[dreg:$0x0] =	wrdreg $0xFFFFFFFF;
	(pc) =	sbr.abs _section_cstart, $3  }
0xc6: {  	[dreg:$0x1] =	wrdreg $0xFFFFFFFF  }
0xc7: {  	_ =	task.clear_ibuf [dreg:s10], $0x2FFFF;
	_ =	strace $0x9FFFFFFF  }
0xc8: {  	(tm) =	ssettm $0x7FFFFFFF  }
0xc9: {  	_ =	shalt  }
tec
execute0_lowered:
.L_overlay_start_1:
0x0: {  	(tag) =	ssettag $0x1  }
0x1: {  	s3 =	rddreg [dreg:$0x0]  }
0x2: {  	s4 =	rddreg [dreg:$0x1]  }
0x3: {  	s5 =	rddreg [dreg:$0x2]  }
0x4: {  	s6 =	rddreg [dreg:$0x3];
	s1 =	srdreg.scid  }
0x5: {  	s0 =	stileid.u32;
	s7 =	rddreg [dreg:$0x4];
	s12 =	simm.s32 $0x2  }
0x6: {  	s13 =	simm.s32 $0x3;
	s14 =	simm.s32 $0x7680;
	s15 =	simm.s32 $0x9E00  }
0x7: {  	s16 =	simm.s32 $0x80;
	s17 =	simm.s32 $0x400;
	s18 =	simm.s32 $0x0  }
0x8: {  	s8 =	sand.u32 $0x1, s1;
	s2 =	sshll.u32 s0, $0x1;
	s1 =	rddreg [dreg:$0x5]  }
0x9: {  	s10 =	sshrl.u32 s0, $0x2;
	s9 =	sor.u32 s8, s2;
	s2 =	simm.s32 $0x0  }
0xa: {  	s10 =	smul.u32 $0x13C00, s10;
	s8 =	ssub.s32 $0x2, s8;
	s11 =	sshll.u32 s9, $0x7  }
0xb: {  	[smem:$0x7FF] =	sst s2;
	s9 =	smul.u32 $0x4E2, s9;
	s31 =	sshrl.u32 s8, $0x1  }
0xc: {  	s11 =	sand.u32 $0x380, s11;
	_ =	strace $0x80000047;
	s8 =	ssub.s32 s8, s31  }
0xd: {  	s10 =	sor.u32 s10, s11;
	s3 =	sadd.s32 s3, s9;
	s4 =	sadd.s32 s4, s9  }
0xe: {  	s5 =	sadd.s32 s5, s9;
	s8 =	smax.u32 s8, $0x1;
	s10 =	sshrl.u32 s10, $0x3  }
0xf: {  	s9 =	simm.s32 $0x2780;
	s11 =	simm.s32 $0x1;
	s7 =	sadd.s32 s10, s7  }
0x10: {  	v0 =	vimm.f32 $0.0e+00;
	s6 =	sadd.s32 s6, s10;
	s10 =	simm.s32 $0x4F00;
	s7 =	sadd.s32 $0x1A00, s7  }
.LBB2_1:
0x11: {  	[tilespmem:s2], [sflag:$0x1] =	stream.linear.gather [hbm4b:s3+s2], $0x2710, $0x38;
	[tilespmem:$0xC580] =	vst v63  }
0x12: {  	_ = 	snop  }
0x13: {  	[tilespmem:s9], [sflag:$0x2] =	stream.linear.gather [hbm4b:s4+s2], $0x2710, $0x38;
	[tilespmem:$0xC580] =	vst v63  }
0x14: {  	s19 =	simm.s32 $0x76C0  }
0x15: {  	[tilespmem:s10], [sflag:$0x3] =	stream.linear.gather [hbm4b:s5+s2], $0x2710, $0x38;
	[tilespmem:$0xC580] =	vst v63  }
0x16: {  	[tilespmem:s19+$0x30] =	vst v0  }
0x17: {  	[tilespmem:s19+$0xFFFFFFF0] =	vst v0  }
0x18: {  	[tilespmem:s19+$0xFFFFFFC0] =	vst v0  }
0x19: {  	[tilespmem:s19+$0xFFFFFFE0] =	vst v0  }
0x1a: {  	[tilespmem:s19+$0x10] =	vst v0  }
0x1b: {  	[tilespmem:s19+$0x20] =	vst v0  }
0x1c: {  	[tilespmem:s19+$0x0] =	vst v0  }
0x1d: {  	s20 =	simm.s32 $0x9E40;
	[tilespmem:s19+$0xFFFFFFD0] =	vst v0  }
0x1e: {  	[tilespmem:s20+$0xFFFFFFC0] =	vst v0  }
0x1f: {  	[tilespmem:s20+$0x30] =	vst v0  }
0x20: {  	[tilespmem:s20+$0x20] =	vst v0  }
0x21: {  	[tilespmem:s20+$0x10] =	vst v0  }
0x22: {  	[tilespmem:s20+$0xFFFFFFE0] =	vst v0  }
0x23: {  	[tilespmem:s20+$0x0] =	vst v0  }
0x24: {  	s21 =	simm.s32 $0x0;
	[tilespmem:s20+$0xFFFFFFF0] =	vst v0  }
.LBB2_2:
0x25: {  	s21 =	sadd.s32 $0x80, s21;
	[tilespmem:s20+$0xFFFFFFD0] =	vst v0;
	s19 =	sadd.s32 $0x80, s19;
	s20 =	sadd.s32 $0x80, s20  }
0x26: {  	[tilespmem:s19+$0x30] =	vst v0;
	p0 =	slt.u32 s21, $0x2680  }
0x27: {  	[tilespmem:s19+$0xFFFFFFF0] =	vst v0  }
0x28: {  	[tilespmem:s19+$0xFFFFFFC0] =	vst v0  }
0x29: {  	[tilespmem:s20+$0xFFFFFFC0] =	vst v0  }
0x2a: {  	[tilespmem:s20+$0x30] =	vst v0  }
0x2b: {  	[tilespmem:s19+$0xFFFFFFE0] =	vst v0  }
0x2c: {  	[tilespmem:s19+$0x10] =	vst v0  }
0x2d: {  	[tilespmem:s19+$0x20] =	vst v0  }
0x2e: {  	[tilespmem:s20+$0x20] =	vst v0  }
0x2f: {  	[tilespmem:s20+$0x10] =	vst v0  }
.Ltmp0:
0x30: {  	[tilespmem:s20+$0xFFFFFFE0] =	vst v0;
	(pc) =	sbr.rel @p0 .LBB2_2-.Ltmp0, $4  }
0x31: {  	[tilespmem:s19+$0x0] =	vst v0  }
0x32: {  	[tilespmem:s20+$0x0] =	vst v0  }
0x33: {  	[tilespmem:s20+$0xFFFFFFF0] =	vst v0  }
0x34: {  	[tilespmem:s19+$0xFFFFFFD0] =	vst v0  }
0x35: {  	[tilespmem:s20+$0xFFFFFFD0] =	vst v0  }
0x36: {  	[tilespmem:$0x9D80] =	vst v0  }
0x37: {  	[tilespmem:$0xC500] =	vst v0  }
0x38: {  	_ =	swait.ge [sflag:s11], $0x2710  }
0x39: {  	[sflag:s11] =	ssyncset.done $0x0  }
0x3a: {  	[sflag:s11] =	ssyncadd.s32 $0xFFFFD8F0  }
0x3b: {  	_ =	swait.ge [sflag:s12], $0x2710  }
0x3c: {  	[sflag:s12] =	ssyncset.done $0x0  }
0x3d: {  	[sflag:s12] =	ssyncadd.s32 $0xFFFFD8F0  }
0x3e: {  	_ =	swait.ge [sflag:s13], $0x2710  }
0x3f: {  	[sflag:s13] =	ssyncset.done $0x0  }
0x40: {  	s21 =	simm.s32 $0x80;
	[sflag:s13] =	ssyncadd.s32 $0xFFFFD8F0  }
0x41: {  	v1 =	vld [tilespmem:s21+$0x70]  }
0x42: {  	v2 =	vld [tilespmem:s21+$0xFFFFFF80]  }
0x43: {  	s19 =	simm.s32 $0x4F80;
	v3 =	vld [tilespmem:s21+$0xFFFFFF90]  }
0x44: {  	v4 =	vld [tilespmem:s19+$0x70]  }
0x45: {  	v5 =	vld [tilespmem:s21+$0xFFFFFFA0]  }
0x46: {  	v6 =	vld [tilespmem:s21+$0xFFFFFFB0]  }
0x47: {  	v7 =	vld [tilespmem:s21+$0xFFFFFFC0]  }
0x48: {  	v8 =	vld [tilespmem:s21+$0xFFFFFFD0]  }
0x49: {  	v9 =	vld [tilespmem:s21+$0xFFFFFFE0]  }
0x4a: {  	v10 =	vld [tilespmem:s21+$0xFFFFFFF0]  }
0x4b: {  	v11 =	vld [tilespmem:s21+$0x0]  }
0x4c: {  	v12 =	vld [tilespmem:s21+$0x10]  }
0x4d: {  	v13 =	vld [tilespmem:s21+$0x20]  }
0x4e: {  	v14 =	vld [tilespmem:s21+$0x30]  }
0x4f: {  	v15 =	vld [tilespmem:s21+$0x40]  }
0x50: {  	v51 =	vld [tilespmem:s21+$0x60]  }
0x51: {  	v16 =	vld [tilespmem:s19+$0xFFFFFF90]  }
0x52: {  	v17 =	vld [tilespmem:s19+$0xFFFFFFA0]  }
0x53: {  	v18 =	vld [tilespmem:s19+$0xFFFFFFB0]  }
0x54: {  	v19 =	vld [tilespmem:s19+$0xFFFFFFC0]  }
0x55: {  	v20 =	vld [tilespmem:s19+$0xFFFFFFD0]  }
0x56: {  	v21 =	vld [tilespmem:s19+$0xFFFFFFE0]  }
0x57: {  	v22 =	vld [tilespmem:s19+$0xFFFFFFF0]  }
0x58: {  	v23 =	vld [tilespmem:s19+$0x0]  }
0x59: {  	v24 =	vld [tilespmem:s19+$0x10]  }
0x5a: {  	v25 =	vld [tilespmem:s19+$0x20]  }
0x5b: {  	v26 =	vld [tilespmem:s19+$0x30]  }
0x5c: {  	v27 =	vld [tilespmem:s19+$0x40]  }
0x5d: {  	v28 =	vld [tilespmem:s19+$0x50]  }
0x5e: {  	v29 =	vld [tilespmem:s19+$0x60]  }
0x5f: {  	v30 =	vld [tilespmem:s19+$0xFFFFFF80]  }
0x60: {  	[tilespmem:v1+s14+$0x0] =	vst.idx.add.f32.msk $0xffff, v4  }
0x61: {  	[tilespmem:v3+s14+$0x0] =	vst.idx.add.f32.msk $0xffff, v16  }
0x62: {  	[tilespmem:v5+s14+$0x0] =	vst.idx.add.f32.msk $0xffff, v17  }
0x63: {  	[tilespmem:v6+s14+$0x0] =	vst.idx.add.f32.msk $0xffff, v18  }
0x64: {  	[tilespmem:v7+s14+$0x0] =	vst.idx.add.f32.msk $0xffff, v19  }
0x65: {  	[tilespmem:v2+s14+$0x0] =	vst.idx.add.f32.msk $0xffff, v30  }
0x66: {  	[tilespmem:v8+s14+$0x0] =	vst.idx.add.f32.msk $0xffff, v20  }
0x67: {  	[tilespmem:v9+s14+$0x0] =	vst.idx.add.f32.msk $0xffff, v21  }
0x68: {  	[tilespmem:v10+s14+$0x0] =	vst.idx.add.f32.msk $0xffff, v22  }
0x69: {  	[tilespmem:v11+s14+$0x0] =	vst.idx.add.f32.msk $0xffff, v23  }
0x6a: {  	[tilespmem:v12+s14+$0x0] =	vst.idx.add.f32.msk $0xffff, v24  }
0x6b: {  	[tilespmem:v13+s14+$0x0] =	vst.idx.add.f32.msk $0xffff, v25  }
0x6c: {  	[tilespmem:v14+s14+$0x0] =	vst.idx.add.f32.msk $0xffff, v26  }
0x6d: {  	[tilespmem:v15+s14+$0x0] =	vst.idx.add.f32.msk $0xffff, v27  }
0x6e: {  	s20 =	simm.s32 $0x2800;
	[tilespmem:v51+s14+$0x0] =	vst.idx.add.f32.msk $0xffff, v29  }
0x6f: {  	v1 =	vld [tilespmem:s20+$0x70]  }
0x70: {  	v2 =	vld [tilespmem:s20+$0xFFFFFF90]  }
0x71: {  	v3 =	vld [tilespmem:s20+$0xFFFFFFA0]  }
0x72: {  	v52 =	vld [tilespmem:s20+$0xFFFFFFB0]  }
0x73: {  	v53 =	vld [tilespmem:s20+$0xFFFFFFC0]  }
0x74: {  	v54 =	vld [tilespmem:s20+$0xFFFFFFD0]  }
0x75: {  	v55 =	vld [tilespmem:s20+$0xFFFFFFE0]  }
0x76: {  	v56 =	vld [tilespmem:s20+$0xFFFFFFF0]  }
0x77: {  	v57 =	vld [tilespmem:s20+$0x0]  }
0x78: {  	v58 =	vld [tilespmem:s20+$0x10]  }
0x79: {  	v59 =	vld [tilespmem:s20+$0x20]  }
0x7a: {  	v60 =	vld [tilespmem:s20+$0x30]  }
0x7b: {  	v61 =	vld [tilespmem:s20+$0x40]  }
0x7c: {  	v63 =	vld [tilespmem:s20+$0x60]  }
0x7d: {  	[tilespmem:v1+s15+$0x0] =	vst.idx.add.f32.msk $0xffff, v4  }
0x7e: {  	v1 =	vld [tilespmem:s21+$0x50]  }
0x7f: {  	[tilespmem:v2+s15+$0x0] =	vst.idx.add.f32.msk $0xffff, v16  }
0x80: {  	[tilespmem:v3+s15+$0x0] =	vst.idx.add.f32.msk $0xffff, v17  }
0x81: {  	[tilespmem:v52+s15+$0x0] =	vst.idx.add.f32.msk $0xffff, v18  }
0x82: {  	[tilespmem:v53+s15+$0x0] =	vst.idx.add.f32.msk $0xffff, v19  }
0x83: {  	[tilespmem:v54+s15+$0x0] =	vst.idx.add.f32.msk $0xffff, v20  }
0x84: {  	[tilespmem:v55+s15+$0x0] =	vst.idx.add.f32.msk $0xffff, v21  }
0x85: {  	[tilespmem:v56+s15+$0x0] =	vst.idx.add.f32.msk $0xffff, v22  }
0x86: {  	[tilespmem:v1+s14+$0x0] =	vst.idx.add.f32.msk $0xffff, v28  }
0x87: {  	v1 =	vld [tilespmem:s20+$0xFFFFFF80]  }
0x88: {  	v62 =	vld [tilespmem:s20+$0x50]  }
0x89: {  	[tilespmem:v57+s15+$0x0] =	vst.idx.add.f32.msk $0xffff, v23  }
0x8a: {  	[tilespmem:v58+s15+$0x0] =	vst.idx.add.f32.msk $0xffff, v24  }
0x8b: {  	[tilespmem:v59+s15+$0x0] =	vst.idx.add.f32.msk $0xffff, v25  }
0x8c: {  	[tilespmem:v60+s15+$0x0] =	vst.idx.add.f32.msk $0xffff, v26  }
0x8d: {  	[tilespmem:v61+s15+$0x0] =	vst.idx.add.f32.msk $0xffff, v27  }
0x8e: {  	[tilespmem:v63+s15+$0x0] =	vst.idx.add.f32.msk $0xffff, v29  }
0x8f: {  	[tilespmem:v1+s15+$0x0] =	vst.idx.add.f32.msk $0xffff, v30  }
0x90: {  	s22 =	simm.s32 $0x180;
	s21 =	simm.s32 $0x0;
	[tilespmem:v62+s15+$0x0] =	vst.idx.add.f32.msk $0xffff, v28  }
.LBB2_4:
0x91: {  	v1 =	vld [tilespmem:s22+$0x70];
	s21 =	sadd.s32 $0x100, s21  }
0x92: {  	v2 =	vld [tilespmem:s22+$0xFFFFFF80];
	p0 =	slt.u32 s21, $0x2600  }
0x93: {  	s19 =	sadd.s32 $0x100, s19;
	v3 =	vld [tilespmem:s22+$0xFFFFFF90]  }
0x94: {  	v4 =	vld [tilespmem:s19+$0x70]  }
0x95: {  	v5 =	vld [tilespmem:s22+$0xFFFFFFA0]  }
0x96: {  	v6 =	vld [tilespmem:s22+$0xFFFFFFB0]  }
0x97: {  	v7 =	vld [tilespmem:s22+$0xFFFFFFC0]  }
0x98: {  	v8 =	vld [tilespmem:s22+$0xFFFFFFD0]  }
0x99: {  	s20 =	sadd.s32 $0x100, s20;
	[tilespmem:v1+s14+$0x0] =	vst.idx.add.f32.msk $0xffff, v4  }
0x9a: {  	v1 =	vld [tilespmem:s20+$0x70]  }
0x9b: {  	v9 =	vld [tilespmem:s22+$0xFFFFFFE0]  }
0x9c: {  	v10 =	vld [tilespmem:s22+$0xFFFFFFF0]  }
0x9d: {  	v11 =	vld [tilespmem:s22+$0x0]  }
0x9e: {  	v12 =	vld [tilespmem:s22+$0x10]  }
0x9f: {  	v13 =	vld [tilespmem:s22+$0x20]  }
0xa0: {  	v14 =	vld [tilespmem:s22+$0x30]  }
0xa1: {  	v15 =	vld [tilespmem:s22+$0x40]  }
0xa2: {  	[tilespmem:v1+s15+$0x0] =	vst.idx.add.f32.msk $0xffff, v4  }
0xa3: {  	v1 =	vld [tilespmem:s22+$0x50]  }
0xa4: {  	v4 =	vld [tilespmem:s22+$0x60]  }
0xa5: {  	v16 =	vld [tilespmem:s19+$0xFFFFFF90]  }
0xa6: {  	v17 =	vld [tilespmem:s19+$0xFFFFFFA0]  }
0xa7: {  	v18 =	vld [tilespmem:s19+$0xFFFFFFB0]  }
0xa8: {  	v19 =	vld [tilespmem:s19+$0xFFFFFFC0]  }
0xa9: {  	v20 =	vld [tilespmem:s19+$0xFFFFFFD0]  }
0xaa: {  	v21 =	vld [tilespmem:s19+$0xFFFFFFE0]  }
0xab: {  	v22 =	vld [tilespmem:s19+$0xFFFFFFF0]  }
0xac: {  	v23 =	vld [tilespmem:s19+$0x0]  }
0xad: {  	v24 =	vld [tilespmem:s19+$0x10]  }
0xae: {  	v25 =	vld [tilespmem:s19+$0x20]  }
0xaf: {  	v26 =	vld [tilespmem:s19+$0x30]  }
0xb0: {  	v27 =	vld [tilespmem:s19+$0x40]  }
0xb1: {  	v28 =	vld [tilespmem:s19+$0x50]  }
0xb2: {  	v29 =	vld [tilespmem:s19+$0x60]  }
0xb3: {  	v30 =	vld [tilespmem:s19+$0xFFFFFF80]  }
0xb4: {  	[tilespmem:v3+s14+$0x0] =	vst.idx.add.f32.msk $0xffff, v16  }
0xb5: {  	[tilespmem:v5+s14+$0x0] =	vst.idx.add.f32.msk $0xffff, v17  }
0xb6: {  	[tilespmem:v6+s14+$0x0] =	vst.idx.add.f32.msk $0xffff, v18  }
0xb7: {  	[tilespmem:v7+s14+$0x0] =	vst.idx.add.f32.msk $0xffff, v19  }
0xb8: {  	[tilespmem:v2+s14+$0x0] =	vst.idx.add.f32.msk $0xffff, v30  }
0xb9: {  	[tilespmem:v8+s14+$0x0] =	vst.idx.add.f32.msk $0xffff, v20  }
0xba: {  	[tilespmem:v9+s14+$0x0] =	vst.idx.add.f32.msk $0xffff, v21  }
0xbb: {  	[tilespmem:v10+s14+$0x0] =	vst.idx.add.f32.msk $0xffff, v22  }
0xbc: {  	[tilespmem:v11+s14+$0x0] =	vst.idx.add.f32.msk $0xffff, v23  }
0xbd: {  	[tilespmem:v12+s14+$0x0] =	vst.idx.add.f32.msk $0xffff, v24  }
0xbe: {  	[tilespmem:v13+s14+$0x0] =	vst.idx.add.f32.msk $0xffff, v25  }
0xbf: {  	[tilespmem:v14+s14+$0x0] =	vst.idx.add.f32.msk $0xffff, v26  }
0xc0: {  	[tilespmem:v15+s14+$0x0] =	vst.idx.add.f32.msk $0xffff, v27  }
0xc1: {  	[tilespmem:v1+s14+$0x0] =	vst.idx.add.f32.msk $0xffff, v28  }
0xc2: {  	[tilespmem:v4+s14+$0x0] =	vst.idx.add.f32.msk $0xffff, v29  }
0xc3: {  	v1 =	vld [tilespmem:s20+$0xFFFFFF80]  }
0xc4: {  	v2 =	vld [tilespmem:s20+$0xFFFFFF90]  }
0xc5: {  	v3 =	vld [tilespmem:s20+$0xFFFFFFA0]  }
0xc6: {  	v4 =	vld [tilespmem:s20+$0xFFFFFFB0]  }
0xc7: {  	v5 =	vld [tilespmem:s20+$0xFFFFFFC0]  }
0xc8: {  	v6 =	vld [tilespmem:s20+$0xFFFFFFD0]  }
0xc9: {  	v7 =	vld [tilespmem:s20+$0xFFFFFFE0]  }
0xca: {  	v8 =	vld [tilespmem:s20+$0xFFFFFFF0]  }
0xcb: {  	v9 =	vld [tilespmem:s20+$0x0]  }
0xcc: {  	v10 =	vld [tilespmem:s20+$0x10]  }
0xcd: {  	v11 =	vld [tilespmem:s20+$0x20]  }
0xce: {  	v12 =	vld [tilespmem:s20+$0x30]  }
0xcf: {  	v13 =	vld [tilespmem:s20+$0x40]  }
0xd0: {  	v14 =	vld [tilespmem:s20+$0x50]  }
0xd1: {  	v15 =	vld [tilespmem:s20+$0x60]  }
0xd2: {  	[tilespmem:v1+s15+$0x0] =	vst.idx.add.f32.msk $0xffff, v30  }
0xd3: {  	[tilespmem:v2+s15+$0x0] =	vst.idx.add.f32.msk $0xffff, v16  }
0xd4: {  	[tilespmem:v3+s15+$0x0] =	vst.idx.add.f32.msk $0xffff, v17  }
0xd5: {  	[tilespmem:v4+s15+$0x0] =	vst.idx.add.f32.msk $0xffff, v18  }
0xd6: {  	[tilespmem:v5+s15+$0x0] =	vst.idx.add.f32.msk $0xffff, v19  }
0xd7: {  	[tilespmem:v6+s15+$0x0] =	vst.idx.add.f32.msk $0xffff, v20  }
0xd8: {  	[tilespmem:v7+s15+$0x0] =	vst.idx.add.f32.msk $0xffff, v21  }
0xd9: {  	[tilespmem:v8+s15+$0x0] =	vst.idx.add.f32.msk $0xffff, v22  }
0xda: {  	[tilespmem:v9+s15+$0x0] =	vst.idx.add.f32.msk $0xffff, v23  }
0xdb: {  	[tilespmem:v10+s15+$0x0] =	vst.idx.add.f32.msk $0xffff, v24  }
.Ltmp1:
0xdc: {  	[tilespmem:v11+s15+$0x0] =	vst.idx.add.f32.msk $0xffff, v25;
	(pc) =	sbr.rel @p0 .LBB2_4-.Ltmp1, $4  }
0xdd: {  	[tilespmem:v12+s15+$0x0] =	vst.idx.add.f32.msk $0xffff, v26  }
0xde: {  	[tilespmem:v13+s15+$0x0] =	vst.idx.add.f32.msk $0xffff, v27  }
0xdf: {  	[tilespmem:v14+s15+$0x0] =	vst.idx.add.f32.msk $0xffff, v28  }
0xe0: {  	s22 =	sadd.s32 $0x100, s22;
	[tilespmem:v15+s15+$0x0] =	vst.idx.add.f32.msk $0xffff, v29  }
0xe1: {  	v1 =	vld [tilespmem:$0x2700];
	_ =	sdelay $0x2  }
0xe2: {  	v2 =	vld [tilespmem:$0x7600];
	_ =	sdelay $0x4  }
0xe3: {  	[tilespmem:v1+s14+$0x0] =	vst.idx.add.f32.msk $0xffff, v2  }
0xe4: {  	v1 =	vld [tilespmem:$0x4E80];
	_ =	sdelay $0x7  }
0xe5: {  	[tilespmem:v1+s15+$0x0] =	vst.idx.add.f32.msk $0xffff, v2  }
0xe6: {  	[hbm4b:s6+s16] =	stream.strided.scatter [tilespmem:s14], [sflag:$0x1], $0x2780, s17, s16, $0x38;
	[tilespmem:$0xC580] =	vst v63  }
0xe7: {  	s18 =	sadd.s32 $0x1, s18  }
0xe8: {  	[hbm4b:s7+s16] =	stream.strided.scatter [tilespmem:s15], [sflag:$0x2], $0x2780, s17, s16, $0x38;
	[tilespmem:$0xC580] =	vst v63  }
0xe9: {  	p0 =	sne.s32 s18, s8;
	_ =	swait.ge [sflag:s11], $0x2780  }
.Ltmp2:
0xea: {  	[sflag:s11] =	ssyncset.done $0x0;
	(pc) =	sbr.rel @p0 .LBB2_1-.Ltmp2, $4  }
0xeb: {  	[sflag:s11] =	ssyncadd.s32 $0xFFFFD880  }
0xec: {  	_ =	swait.ge [sflag:s12], $0x2780  }
0xed: {  	[sflag:s12] =	ssyncset.done $0x0  }
0xee: {  	[sflag:s12] =	ssyncadd.s32 $0xFFFFD880  }
0xef: {  	_ =	sfence.sel $0x180000  }
0xf0: {  	[bflag:$0x0] =	sbarrier.arrive $0xFFFF  }
0xf1: {  	p0 =	sne.s32 s0, $0x0;
	_ =	strace $0x90000047  }
0xf2: {  	s0 =	sadd.s32 @!p0 $0x100000, s1;
	[bflag:$0x2] =	sbarrier.arrive $0xFFFF  }
0xf3: {  	[sflag:s0] =	ssyncadd.tile.s32 @!p0 $0x1;
	_ =	shalt  }
.Lfunc_end2:
_tile_overlayer_lowered:
.L_overlay_start_2:
0xf4: {  	(tag) =	ssettag $0x2  }
0xf5: {  	s0 =	rddreg [dreg:$0x0];
	s2 =	stileid.u32  }
0xf6: {  	s1 =	rddreg [dreg:$0x1];
	p0 =	sne.s32 s2, $0x0  }
0xf7: {  	s3 =	rddreg [dreg:$0x2];
	[bflag:$0x3] =	sbarrier.arrive $0xFFFF;
	s2 =	simm.s32 @!p0 $0x1C04  }
0xf8: {  	[timem:s3], [sflag:s2] =	dma.local @!p0 [hbm:s0], s1  }
0xf9: {  	s0 =	simm.s32 @!p0 $0x4  }
0xfa: {  	_ =	swait.ge @!p0 [sflag:s0], s1  }
0xfb: {  	s1 =	ssub.s32 @!p0 $0x0, s1;
	[sflag:s0] =	ssyncset.done @!p0 $0x0  }
0xfc: {  	[sflag:s0] =	ssyncadd.s32 @!p0 s1  }
0xfd: {  	[bflag:$0x3] =	sbarrier.arrive $0xFFFF  }
0xfe: {  	_ =	shalt  }

</sc_bundles>
